<compile_context>
chip_gen: v7x
topology: tpu7x:2x2x1
jax: 0.10.2.dev20260603
libtpu: 0.0.44.dev20260713+nightly
codegen_flags: <defaults>
</compile_context>

<pallas_src>
import functools

import jax
import jax.numpy as jnp
from jax import lax
from jax.experimental import pallas as pl
from jax.experimental.pallas import tpu as pltpu
from jax.experimental.pallas import tpu_sc as plsc

N_ATOMS = 100000
EMB = 128
N_MOL = 256
BLOCK = 10000
N_STEPS = 5

N_PAD = 102400
CHUNK = N_PAD // 32
LANES = 16


def _matvec_kernel(ea_ref, eb_ref, w_ref, b_ref, va_ref, vb_ref):
    w_bf = w_ref[:].astype(jnp.bfloat16)
    b_val = b_ref[0, 0]
    va = jnp.dot(ea_ref[:].astype(jnp.bfloat16), w_bf,
                 preferred_element_type=jnp.float32) + b_val
    vb = jnp.dot(eb_ref[:].astype(jnp.bfloat16), w_bf,
                 preferred_element_type=jnp.float32) + b_val
    va_ref[0] = va.reshape(1, BLOCK)
    vb_ref[0] = vb.reshape(1, BLOCK)


def _tc_matvec(energy, W, b):
    b2d = b.reshape(1, 1)
    va, vb = pl.pallas_call(
        _matvec_kernel,
        grid=(N_STEPS,),
        in_specs=[
            pl.BlockSpec((BLOCK, EMB), lambda i: (i, 0)),
            pl.BlockSpec((BLOCK, EMB), lambda i: (i + N_STEPS, 0)),
            pl.BlockSpec((EMB, 1), lambda i: (0, 0)),
            pl.BlockSpec((1, 1), lambda i: (0, 0)),
        ],
        out_specs=[
            pl.BlockSpec((1, 1, BLOCK), lambda i: (i, 0, 0)),
            pl.BlockSpec((1, 1, BLOCK), lambda i: (i, 0, 0)),
        ],
        out_shape=[
            jax.ShapeDtypeStruct((N_STEPS, 1, BLOCK), jnp.float32),
            jax.ShapeDtypeStruct((N_STEPS, 1, BLOCK), jnp.float32),
        ],
    )(energy, energy, W, b2d)
    return va, vb


def _sc_segment_sum(v_pad, ids_pad):
    mesh = plsc.VectorSubcoreMesh(core_axis_name="c", subcore_axis_name="s")

    @functools.partial(
        pl.kernel,
        mesh=mesh,
        compiler_params=pltpu.CompilerParams(needs_layout_passes=False),
        out_type=jax.ShapeDtypeStruct((32, N_MOL), jnp.float32),
        scratch_types=[
            pltpu.VMEM((CHUNK,), jnp.float32),
            pltpu.VMEM((CHUNK,), jnp.int32),
            pltpu.VMEM((N_MOL,), jnp.float32),
        ],
    )
    def seg_sum(v_hbm, ids_hbm, out_hbm, v_v, idx_v, acc_v):
        cid = lax.axis_index("c")
        sid = lax.axis_index("s")
        wid = cid * 16 + sid
        base = wid * CHUNK
        pltpu.sync_copy(v_hbm.at[pl.ds(base, CHUNK)], v_v)
        pltpu.sync_copy(ids_hbm.at[pl.ds(base, CHUNK)], idx_v)

        for k in range(N_MOL // LANES):
            acc_v[pl.ds(k * LANES, LANES)] = jnp.zeros((LANES,), jnp.float32)

        def body(j, carry):
            v16 = v_v[pl.ds(j * LANES, LANES)]
            i16 = idx_v[pl.ds(j * LANES, LANES)]
            plsc.addupdate_scatter(acc_v, [i16], v16)
            return carry

        lax.fori_loop(0, CHUNK // LANES, body, 0, unroll=False)
        pltpu.sync_copy(acc_v, out_hbm.at[wid])

    return seg_sum(v_pad, ids_pad)


def kernel(energy, batch, W, b):
    va, vb = _tc_matvec(energy, W, b)
    v_pad = jnp.concatenate([
        va.reshape(-1), vb.reshape(-1),
        jnp.zeros((N_PAD - N_ATOMS,), jnp.float32),
    ])
    ids_pad = jnp.concatenate([
        batch.astype(jnp.int32),
        jnp.full((N_PAD - N_ATOMS,), N_MOL - 1, jnp.int32),
    ])
    partials = _sc_segment_sum(v_pad, ids_pad)
    return jnp.sum(partials, axis=0)

# --- scband reference (transcript-rebuilt; emitter-appended) ---
"""Pipeline reference for scband-graph-binary-classification-output-head-4114578669768 (READ-ONLY COPY).

The authoritative reference and input builder live on the scoring server;
editing this copy changes nothing except your own understanding.
"""

import jax, jax.numpy as jnp
import numpy as np

N_ATOMS = 100000
EMB = 128
N_MOL = 256

def setup_inputs(seed: int = 0) -> dict:
    key = jax.random.key(seed)
    k1, k2, k3, k4 = jax.random.split(key, 4)
    energy = jax.random.normal(k1, (N_ATOMS, EMB), dtype=jnp.float32)
    batch = jnp.sort(jax.random.randint(k2, (N_ATOMS,), 0, N_MOL)).astype(jnp.int64)
    # out_mlp = mlp([emb_size_atom]*num_mlps + [1]) with num_mlps=1 -> single Linear(128, 1)
    W = jax.random.normal(k3, (EMB, 1), dtype=jnp.float32) * (1.0 / np.sqrt(EMB))
    b = jax.random.normal(k4, (1,), dtype=jnp.float32) * 0.01
    return {"energy": energy, "batch": batch, "W": W, "b": b}

def reference(energy, batch, W, b):
    # per-atom MLP head: [N, emb] -> [N, 1]
    out = energy @ W + b
    # scatter(output, data.batch, dim=0, dim_size=n_molecules, reduce='sum')
    pooled = jax.ops.segment_sum(out, batch, num_segments=N_MOL)
    # rearrange 'b 1 -> b'
    return pooled[:, 0]

if __name__ == "__main__":
    import jax
    _d = setup_inputs()
    print(jax.jit(kernel)(*tuple(_d.values())))

</pallas_src>

<mosaic_0001>
#map = affine_map<(d0, d1) -> (0)>
#map1 = affine_map<(d0, d1) -> (0, 0)>
module attributes {stable_mosaic.version = 14 : i64} {
  func.func @seg_sum(%arg0: i32, %arg1: i32, %arg2: memref<102400xf32, #tpu.memory_space<hbm>>, %arg3: memref<102400xi32, #tpu.memory_space<hbm>>, %arg4: memref<32x256xf32, #tpu.memory_space<hbm>>, %arg5: memref<3200xf32, #tpu.memory_space<vmem>>, %arg6: memref<3200xi32, #tpu.memory_space<vmem>>, %arg7: memref<256xf32, #tpu.memory_space<vmem>>) attributes {dimension_semantics = [#tpu.dimension_semantics<core_parallel>, #tpu.dimension_semantics<subcore_parallel>], iteration_bounds = array<i64: 2, 16>, scalar_prefetch = 0 : i64, scratch_operands = 3 : i64, tpu.core_type = #tpu.core_type<sc_vector_subcore>, window_params = [{transform_indices = #map}, {transform_indices = #map}, {transform_indices = #map1}]} {
    %mul3A = arith.constant 16 : i32
    %mul3A_0 = arith.muli %arg0, %mul3A : i32
    %add3A = arith.addi %mul3A_0, %arg1 : i32
    %mul3A_1 = arith.constant 3200 : i32
    %mul3A_2 = arith.muli %add3A, %mul3A_1 : i32
    "tpu.region"() ({
      %run_scoped3A = tpu.sem_alloc : memref<!tpu.dma_semaphore, #tpu.memory_space<semaphore_mem>>
      %dma_start3A = tpu.memref_slice %arg2[%mul3A_2] : memref<102400xf32, #tpu.memory_space<hbm>> -> memref<3200xf32, #tpu.memory_space<hbm>>
      %dma_start3A_70 = tpu.memref_slice %arg2[%mul3A_2] : memref<102400xf32, #tpu.memory_space<hbm>> -> memref<3200xf32, #tpu.memory_space<hbm>>
      tpu.enqueue_dma source(%dma_start3A_70 : memref<3200xf32, #tpu.memory_space<hbm>>) target(%arg5 : memref<3200xf32, #tpu.memory_space<vmem>>) target_semaphore(%run_scoped3A : memref<!tpu.dma_semaphore, #tpu.memory_space<semaphore_mem>>)
      %dma_wait3A = tpu.memref_slice %arg2[%mul3A_2] : memref<102400xf32, #tpu.memory_space<hbm>> -> memref<3200xf32, #tpu.memory_space<hbm>>
      %dma_wait3A_71 = tpu.memref_slice %arg2[%mul3A_2] : memref<102400xf32, #tpu.memory_space<hbm>> -> memref<3200xf32, #tpu.memory_space<hbm>>
      tpu.wait_dma2 semaphore(%run_scoped3A : memref<!tpu.dma_semaphore, #tpu.memory_space<semaphore_mem>>) src(%dma_wait3A_71 : memref<3200xf32, #tpu.memory_space<hbm>>) dst(%arg5 : memref<3200xf32, #tpu.memory_space<vmem>>)
      tpu.yield
    }) : () -> ()
    "tpu.region"() ({
      %run_scoped3A = tpu.sem_alloc : memref<!tpu.dma_semaphore, #tpu.memory_space<semaphore_mem>>
      %dma_start3A = tpu.memref_slice %arg3[%mul3A_2] : memref<102400xi32, #tpu.memory_space<hbm>> -> memref<3200xi32, #tpu.memory_space<hbm>>
      %dma_start3A_70 = tpu.memref_slice %arg3[%mul3A_2] : memref<102400xi32, #tpu.memory_space<hbm>> -> memref<3200xi32, #tpu.memory_space<hbm>>
      tpu.enqueue_dma source(%dma_start3A_70 : memref<3200xi32, #tpu.memory_space<hbm>>) target(%arg6 : memref<3200xi32, #tpu.memory_space<vmem>>) target_semaphore(%run_scoped3A : memref<!tpu.dma_semaphore, #tpu.memory_space<semaphore_mem>>)
      %dma_wait3A = tpu.memref_slice %arg3[%mul3A_2] : memref<102400xi32, #tpu.memory_space<hbm>> -> memref<3200xi32, #tpu.memory_space<hbm>>
      %dma_wait3A_71 = tpu.memref_slice %arg3[%mul3A_2] : memref<102400xi32, #tpu.memory_space<hbm>> -> memref<3200xi32, #tpu.memory_space<hbm>>
      tpu.wait_dma2 semaphore(%run_scoped3A : memref<!tpu.dma_semaphore, #tpu.memory_space<semaphore_mem>>) src(%dma_wait3A_71 : memref<3200xi32, #tpu.memory_space<hbm>>) dst(%arg6 : memref<3200xi32, #tpu.memory_space<vmem>>)
      tpu.yield
    }) : () -> ()
    %broadcast_in_dim3A = arith.constant 0.000000e+00 : f32
    %broadcast_in_dim3A_3 = vector.broadcast %broadcast_in_dim3A : f32 to vector<16xf32>
    %swap3A = arith.constant 0 : index
    %swap3A_4 = tpu.vector_load %arg7[%swap3A] {strides = array<i32>} : memref<256xf32, #tpu.memory_space<vmem>>, vector<16xf32>,
    tpu.vector_store %arg7[%swap3A], %broadcast_in_dim3A_3 {strides = array<i32>} : memref<256xf32, #tpu.memory_space<vmem>>, vector<16xf32>,
    %broadcast_in_dim3A_5 = arith.constant 0.000000e+00 : f32
    %broadcast_in_dim3A_6 = vector.broadcast %broadcast_in_dim3A_5 : f32 to vector<16xf32>
    %swap3A_7 = arith.constant 16 : index
    %swap3A_8 = tpu.vector_load %arg7[%swap3A_7] {strides = array<i32>} : memref<256xf32, #tpu.memory_space<vmem>>, vector<16xf32>,
    tpu.vector_store %arg7[%swap3A_7], %broadcast_in_dim3A_6 {strides = array<i32>} : memref<256xf32, #tpu.memory_space<vmem>>, vector<16xf32>,
    %broadcast_in_dim3A_9 = arith.constant 0.000000e+00 : f32
    %broadcast_in_dim3A_10 = vector.broadcast %broadcast_in_dim3A_9 : f32 to vector<16xf32>
    %swap3A_11 = arith.constant 32 : index
    %swap3A_12 = tpu.vector_load %arg7[%swap3A_11] {strides = array<i32>} : memref<256xf32, #tpu.memory_space<vmem>>, vector<16xf32>,
    tpu.vector_store %arg7[%swap3A_11], %broadcast_in_dim3A_10 {strides = array<i32>} : memref<256xf32, #tpu.memory_space<vmem>>, vector<16xf32>,
    %broadcast_in_dim3A_13 = arith.constant 0.000000e+00 : f32
    %broadcast_in_dim3A_14 = vector.broadcast %broadcast_in_dim3A_13 : f32 to vector<16xf32>
    %swap3A_15 = arith.constant 48 : index
    %swap3A_16 = tpu.vector_load %arg7[%swap3A_15] {strides = array<i32>} : memref<256xf32, #tpu.memory_space<vmem>>, vector<16xf32>,
    tpu.vector_store %arg7[%swap3A_15], %broadcast_in_dim3A_14 {strides = array<i32>} : memref<256xf32, #tpu.memory_space<vmem>>, vector<16xf32>,
    %broadcast_in_dim3A_17 = arith.constant 0.000000e+00 : f32
    %broadcast_in_dim3A_18 = vector.broadcast %broadcast_in_dim3A_17 : f32 to vector<16xf32>
    %swap3A_19 = arith.constant 64 : index
    %swap3A_20 = tpu.vector_load %arg7[%swap3A_19] {strides = array<i32>} : memref<256xf32, #tpu.memory_space<vmem>>, vector<16xf32>,
    tpu.vector_store %arg7[%swap3A_19], %broadcast_in_dim3A_18 {strides = array<i32>} : memref<256xf32, #tpu.memory_space<vmem>>, vector<16xf32>,
    %broadcast_in_dim3A_21 = arith.constant 0.000000e+00 : f32
    %broadcast_in_dim3A_22 = vector.broadcast %broadcast_in_dim3A_21 : f32 to vector<16xf32>
    %swap3A_23 = arith.constant 80 : index
    %swap3A_24 = tpu.vector_load %arg7[%swap3A_23] {strides = array<i32>} : memref<256xf32, #tpu.memory_space<vmem>>, vector<16xf32>,
    tpu.vector_store %arg7[%swap3A_23], %broadcast_in_dim3A_22 {strides = array<i32>} : memref<256xf32, #tpu.memory_space<vmem>>, vector<16xf32>,
    %broadcast_in_dim3A_25 = arith.constant 0.000000e+00 : f32
    %broadcast_in_dim3A_26 = vector.broadcast %broadcast_in_dim3A_25 : f32 to vector<16xf32>
    %swap3A_27 = arith.constant 96 : index
    %swap3A_28 = tpu.vector_load %arg7[%swap3A_27] {strides = array<i32>} : memref<256xf32, #tpu.memory_space<vmem>>, vector<16xf32>,
    tpu.vector_store %arg7[%swap3A_27], %broadcast_in_dim3A_26 {strides = array<i32>} : memref<256xf32, #tpu.memory_space<vmem>>, vector<16xf32>,
    %broadcast_in_dim3A_29 = arith.constant 0.000000e+00 : f32
    %broadcast_in_dim3A_30 = vector.broadcast %broadcast_in_dim3A_29 : f32 to vector<16xf32>
    %swap3A_31 = arith.constant 112 : index
    %swap3A_32 = tpu.vector_load %arg7[%swap3A_31] {strides = array<i32>} : memref<256xf32, #tpu.memory_space<vmem>>, vector<16xf32>,
    tpu.vector_store %arg7[%swap3A_31], %broadcast_in_dim3A_30 {strides = array<i32>} : memref<256xf32, #tpu.memory_space<vmem>>, vector<16xf32>,
    %broadcast_in_dim3A_33 = arith.constant 0.000000e+00 : f32
    %broadcast_in_dim3A_34 = vector.broadcast %broadcast_in_dim3A_33 : f32 to vector<16xf32>
    %swap3A_35 = arith.constant 128 : index
    %swap3A_36 = tpu.vector_load %arg7[%swap3A_35] {strides = array<i32>} : memref<256xf32, #tpu.memory_space<vmem>>, vector<16xf32>,
    tpu.vector_store %arg7[%swap3A_35], %broadcast_in_dim3A_34 {strides = array<i32>} : memref<256xf32, #tpu.memory_space<vmem>>, vector<16xf32>,
    %broadcast_in_dim3A_37 = arith.constant 0.000000e+00 : f32
    %broadcast_in_dim3A_38 = vector.broadcast %broadcast_in_dim3A_37 : f32 to vector<16xf32>
    %swap3A_39 = arith.constant 144 : index
    %swap3A_40 = tpu.vector_load %arg7[%swap3A_39] {strides = array<i32>} : memref<256xf32, #tpu.memory_space<vmem>>, vector<16xf32>,
    tpu.vector_store %arg7[%swap3A_39], %broadcast_in_dim3A_38 {strides = array<i32>} : memref<256xf32, #tpu.memory_space<vmem>>, vector<16xf32>,
    %broadcast_in_dim3A_41 = arith.constant 0.000000e+00 : f32
    %broadcast_in_dim3A_42 = vector.broadcast %broadcast_in_dim3A_41 : f32 to vector<16xf32>
    %swap3A_43 = arith.constant 160 : index
    %swap3A_44 = tpu.vector_load %arg7[%swap3A_43] {strides = array<i32>} : memref<256xf32, #tpu.memory_space<vmem>>, vector<16xf32>,
    tpu.vector_store %arg7[%swap3A_43], %broadcast_in_dim3A_42 {strides = array<i32>} : memref<256xf32, #tpu.memory_space<vmem>>, vector<16xf32>,
    %broadcast_in_dim3A_45 = arith.constant 0.000000e+00 : f32
    %broadcast_in_dim3A_46 = vector.broadcast %broadcast_in_dim3A_45 : f32 to vector<16xf32>
    %swap3A_47 = arith.constant 176 : index
    %swap3A_48 = tpu.vector_load %arg7[%swap3A_47] {strides = array<i32>} : memref<256xf32, #tpu.memory_space<vmem>>, vector<16xf32>,
    tpu.vector_store %arg7[%swap3A_47], %broadcast_in_dim3A_46 {strides = array<i32>} : memref<256xf32, #tpu.memory_space<vmem>>, vector<16xf32>,
    %broadcast_in_dim3A_49 = arith.constant 0.000000e+00 : f32
    %broadcast_in_dim3A_50 = vector.broadcast %broadcast_in_dim3A_49 : f32 to vector<16xf32>
    %swap3A_51 = arith.constant 192 : index
    %swap3A_52 = tpu.vector_load %arg7[%swap3A_51] {strides = array<i32>} : memref<256xf32, #tpu.memory_space<vmem>>, vector<16xf32>,
    tpu.vector_store %arg7[%swap3A_51], %broadcast_in_dim3A_50 {strides = array<i32>} : memref<256xf32, #tpu.memory_space<vmem>>, vector<16xf32>,
    %broadcast_in_dim3A_53 = arith.constant 0.000000e+00 : f32
    %broadcast_in_dim3A_54 = vector.broadcast %broadcast_in_dim3A_53 : f32 to vector<16xf32>
    %swap3A_55 = arith.constant 208 : index
    %swap3A_56 = tpu.vector_load %arg7[%swap3A_55] {strides = array<i32>} : memref<256xf32, #tpu.memory_space<vmem>>, vector<16xf32>,
    tpu.vector_store %arg7[%swap3A_55], %broadcast_in_dim3A_54 {strides = array<i32>} : memref<256xf32, #tpu.memory_space<vmem>>, vector<16xf32>,
    %broadcast_in_dim3A_57 = arith.constant 0.000000e+00 : f32
    %broadcast_in_dim3A_58 = vector.broadcast %broadcast_in_dim3A_57 : f32 to vector<16xf32>
    %swap3A_59 = arith.constant 224 : index
    %swap3A_60 = tpu.vector_load %arg7[%swap3A_59] {strides = array<i32>} : memref<256xf32, #tpu.memory_space<vmem>>, vector<16xf32>,
    tpu.vector_store %arg7[%swap3A_59], %broadcast_in_dim3A_58 {strides = array<i32>} : memref<256xf32, #tpu.memory_space<vmem>>, vector<16xf32>,
    %broadcast_in_dim3A_61 = arith.constant 0.000000e+00 : f32
    %broadcast_in_dim3A_62 = vector.broadcast %broadcast_in_dim3A_61 : f32 to vector<16xf32>
    %swap3A_63 = arith.constant 240 : index
    %swap3A_64 = tpu.vector_load %arg7[%swap3A_63] {strides = array<i32>} : memref<256xf32, #tpu.memory_space<vmem>>, vector<16xf32>,
    tpu.vector_store %arg7[%swap3A_63], %broadcast_in_dim3A_62 {strides = array<i32>} : memref<256xf32, #tpu.memory_space<vmem>>, vector<16xf32>,
    %scan3A = arith.constant 0 : i32
    %scan3A_65 = arith.constant 0 : i32
    %scan3A_66 = arith.constant 200 : i32
    %scan3A_67 = arith.addi %scan3A_65, %scan3A_66 : i32
    %scan3A_68 = arith.constant 1 : i32
    scf.for %scan3A_70 = %scan3A_65 to %scan3A_67 step %scan3A_68  : i32 {
      %mul3A_71 = arith.constant 16 : i32
      %mul3A_72 = arith.muli %scan3A_70, %mul3A_71 : i32
      %get3A = arith.index_cast %mul3A_72 : i32 to index
      %get3A_73 = tpu.vector_load %arg5[%get3A] {strides = array<i32>} : memref<3200xf32, #tpu.memory_space<vmem>>, vector<16xf32>,
      %mul3A_74 = arith.constant 16 : i32
      %mul3A_75 = arith.muli %scan3A_70, %mul3A_74 : i32
      %get3A_76 = arith.index_cast %mul3A_75 : i32 to index
      %get3A_77 = tpu.vector_load %arg6[%get3A_76] {strides = array<i32>} : memref<3200xi32, #tpu.memory_space<vmem>>, vector<16xi32>,
      tpu.vector_store_idx %arg7[%get3A_77], %get3A_73 {add = true} : memref<256xf32, #tpu.memory_space<vmem>>[vector<16xi32>], vector<16xf32>,
    }
    %scan3A_69 = arith.constant 200 : i32
    "tpu.region"() ({
      %run_scoped3A = tpu.sem_alloc : memref<!tpu.dma_semaphore, #tpu.memory_space<semaphore_mem>>
      %dma_start3A = arith.constant 0 : i32
      %dma_start3A_70 = tpu.memref_slice %arg4[%add3A, %dma_start3A] : memref<32x256xf32, #tpu.memory_space<hbm>> -> memref<1x256xf32, #tpu.memory_space<hbm>>
      %dma_start3A_71 = tpu.memref_squeeze %dma_start3A_70 : memref<1x256xf32, #tpu.memory_space<hbm>> -> memref<256xf32, #tpu.memory_space<hbm>>
      %dma_start3A_72 = arith.constant 0 : i32
      %dma_start3A_73 = tpu.memref_slice %arg4[%add3A, %dma_start3A_72] : memref<32x256xf32, #tpu.memory_space<hbm>> -> memref<1x256xf32, #tpu.memory_space<hbm>>
      %dma_start3A_74 = tpu.memref_squeeze %dma_start3A_73 : memref<1x256xf32, #tpu.memory_space<hbm>> -> memref<256xf32, #tpu.memory_space<hbm>>
      tpu.enqueue_dma source(%arg7 : memref<256xf32, #tpu.memory_space<vmem>>) target(%dma_start3A_74 : memref<256xf32, #tpu.memory_space<hbm>>) target_semaphore(%run_scoped3A : memref<!tpu.dma_semaphore, #tpu.memory_space<semaphore_mem>>)
      %dma_wait3A = arith.constant 0 : i32
      %dma_wait3A_75 = tpu.memref_slice %arg4[%add3A, %dma_wait3A] : memref<32x256xf32, #tpu.memory_space<hbm>> -> memref<1x256xf32, #tpu.memory_space<hbm>>
      %dma_wait3A_76 = tpu.memref_squeeze %dma_wait3A_75 : memref<1x256xf32, #tpu.memory_space<hbm>> -> memref<256xf32, #tpu.memory_space<hbm>>
      %dma_wait3A_77 = arith.constant 0 : i32
      %dma_wait3A_78 = tpu.memref_slice %arg4[%add3A, %dma_wait3A_77] : memref<32x256xf32, #tpu.memory_space<hbm>> -> memref<1x256xf32, #tpu.memory_space<hbm>>
      %dma_wait3A_79 = tpu.memref_squeeze %dma_wait3A_78 : memref<1x256xf32, #tpu.memory_space<hbm>> -> memref<256xf32, #tpu.memory_space<hbm>>
      tpu.wait_dma2 semaphore(%run_scoped3A : memref<!tpu.dma_semaphore, #tpu.memory_space<semaphore_mem>>) src(%arg7 : memref<256xf32, #tpu.memory_space<vmem>>) dst(%dma_wait3A_79 : memref<256xf32, #tpu.memory_space<hbm>>)
      tpu.yield
    }) : () -> ()
    return
  }
}

module attributes {stable_mosaic.version = 14 : i64} {
  func.func @_matvec_kernel(%arg0: i32, %arg1: memref<10000x128xf32, #tpu.memory_space<vmem>>, %arg2: memref<10000x128xf32, #tpu.memory_space<vmem>>, %arg3: memref<128x1xf32, #tpu.memory_space<vmem>>, %arg4: memref<1x1xf32, #tpu.memory_space<vmem>>, %arg5: memref<1x1x10000xf32, #tpu.memory_space<vmem>>, %arg6: memref<1x1x10000xf32, #tpu.memory_space<vmem>>) attributes {dimension_semantics = [#tpu.dimension_semantics<arbitrary>], iteration_bounds = array<i64: 5>, scalar_prefetch = 0 : i64, scratch_operands = 0 : i64, tpu.core_type = #tpu.core_type<tc>, window_params = [{transform_indices = @transform_0, window_bounds = array<i64: 10000, 128>}, {transform_indices = @transform_1, window_bounds = array<i64: 10000, 128>}, {pipeline_mode = #tpu.pipeline_mode<synchronous>, transform_indices = @transform_2, window_bounds = array<i64: 128, 1>}, {pipeline_mode = #tpu.pipeline_mode<synchronous>, transform_indices = @transform_3, window_bounds = array<i64: 1, 1>}, {transform_indices = @transform_4, window_bounds = array<i64: 1, 1, 10000>}, {transform_indices = @transform_5, window_bounds = array<i64: 1, 1, 10000>}]} {
    %get3A = arith.constant 0 : index
    %get3A_0 = arith.constant 0 : index
    %get3A_1 = vector.load %arg3[%get3A, %get3A_0] : memref<128x1xf32, #tpu.memory_space<vmem>>, vector<128x1xf32>
    %convert_element_type3A = arith.truncf %get3A_1 : vector<128x1xf32> to vector<128x1xbf16>
    %get3A_2 = arith.constant 0 : index
    %get3A_3 = arith.constant 0 : index
    %get3A_4 = vector.load %arg4[%get3A_2, %get3A_3] : memref<1x1xf32, #tpu.memory_space<vmem>>, vector<1x1xf32>
    %get3A_5 = vector.extract %get3A_4[0, 0] : f32 from vector<1x1xf32>
    %get3A_6 = arith.constant 0 : index
    %get3A_7 = arith.constant 0 : index
    %get3A_8 = vector.load %arg1[%get3A_6, %get3A_7] : memref<10000x128xf32, #tpu.memory_space<vmem>>, vector<10000x128xf32>
    %convert_element_type3A_9 = arith.truncf %get3A_8 : vector<10000x128xf32> to vector<10000x128xbf16>
    %dot_general3A = arith.constant dense<0.000000e+00> : vector<10000x1xf32>
    %dot_general3A_10 = tpu.matmul %convert_element_type3A_9, %convert_element_type3A, %dot_general3A {dimension_numbers = #tpu.dot_dimension_numbers<[1], [0], [0], [1], [0, 0, 1, 1], [], []>, transpose_lhs_hint = false} : vector<10000x128xbf16>, vector<128x1xbf16>, vector<10000x1xf32> -> vector<10000x1xf32>
    %add3A = vector.broadcast %get3A_5 : f32 to vector<10000x1xf32>
    %add3A_11 = arith.addf %dot_general3A_10, %add3A : vector<10000x1xf32>
    %get3A_12 = arith.constant 0 : index
    %get3A_13 = arith.constant 0 : index
    %get3A_14 = vector.load %arg2[%get3A_12, %get3A_13] : memref<10000x128xf32, #tpu.memory_space<vmem>>, vector<10000x128xf32>
    %convert_element_type3A_15 = arith.truncf %get3A_14 : vector<10000x128xf32> to vector<10000x128xbf16>
    %dot_general3A_16 = arith.constant dense<0.000000e+00> : vector<10000x1xf32>
    %dot_general3A_17 = tpu.matmul %convert_element_type3A_15, %convert_element_type3A, %dot_general3A_16 {dimension_numbers = #tpu.dot_dimension_numbers<[1], [0], [0], [1], [0, 0, 1, 1], [], []>, transpose_lhs_hint = false} : vector<10000x128xbf16>, vector<128x1xbf16>, vector<10000x1xf32> -> vector<10000x1xf32>
    %add3A_18 = vector.broadcast %get3A_5 : f32 to vector<10000x1xf32>
    %add3A_19 = arith.addf %dot_general3A_17, %add3A_18 : vector<10000x1xf32>
    %reshape3A = vector.shape_cast %add3A_11 : vector<10000x1xf32> to vector<1x10000xf32>
    %swap3A = arith.constant 0 : index
    %swap3A_20 = arith.constant 0 : index
    %swap3A_21 = arith.constant 0 : index
    %swap3A_22 = vector.load %arg5[%swap3A, %swap3A_20, %swap3A_21] : memref<1x1x10000xf32, #tpu.memory_space<vmem>>, vector<1x1x10000xf32>
    %swap3A_23 = vector.shape_cast %swap3A_22 : vector<1x1x10000xf32> to vector<1x10000xf32>
    %swap3A_24 = vector.shape_cast %reshape3A : vector<1x10000xf32> to vector<1x1x10000xf32>
    tpu.vector_store %arg5[%swap3A, %swap3A_20, %swap3A_21], %swap3A_24 {strides = array<i32>} : memref<1x1x10000xf32, #tpu.memory_space<vmem>>, vector<1x1x10000xf32>,
    %reshape3A_25 = vector.shape_cast %add3A_19 : vector<10000x1xf32> to vector<1x10000xf32>
    %swap3A_26 = arith.constant 0 : index
    %swap3A_27 = arith.constant 0 : index
    %swap3A_28 = arith.constant 0 : index
    %swap3A_29 = vector.load %arg6[%swap3A_26, %swap3A_27, %swap3A_28] : memref<1x1x10000xf32, #tpu.memory_space<vmem>>, vector<1x1x10000xf32>
    %swap3A_30 = vector.shape_cast %swap3A_29 : vector<1x1x10000xf32> to vector<1x10000xf32>
    %swap3A_31 = vector.shape_cast %reshape3A_25 : vector<1x10000xf32> to vector<1x1x10000xf32>
    tpu.vector_store %arg6[%swap3A_26, %swap3A_27, %swap3A_28], %swap3A_31 {strides = array<i32>} : memref<1x1x10000xf32, #tpu.memory_space<vmem>>, vector<1x1x10000xf32>,
    return
  }
  func.func @transform_0(%arg0: i32) -> (i32, i32) {
    %c0_i32 = arith.constant 0 : i32
    %c0_i32_0 = arith.constant 0 : i32
    return %arg0, %c0_i32 : i32, i32
  }
  func.func @transform_1(%arg0: i32) -> (i32, i32) {
    %add3A = arith.constant 5 : i32
    %add3A_0 = arith.addi %arg0, %add3A : i32
    %c0_i32 = arith.constant 0 : i32
    %c0_i32_1 = arith.constant 0 : i32
    return %add3A_0, %c0_i32 : i32, i32
  }
  func.func @transform_2(%arg0: i32) -> (i32, i32) {
    %c0_i32 = arith.constant 0 : i32
    %c0_i32_0 = arith.constant 0 : i32
    %c0_i32_1 = arith.constant 0 : i32
    return %c0_i32, %c0_i32_0 : i32, i32
  }
  func.func @transform_3(%arg0: i32) -> (i32, i32) {
    %c0_i32 = arith.constant 0 : i32
    %c0_i32_0 = arith.constant 0 : i32
    %c0_i32_1 = arith.constant 0 : i32
    return %c0_i32, %c0_i32_0 : i32, i32
  }
  func.func @transform_4(%arg0: i32) -> (i32, i32, i32) {
    %c0_i32 = arith.constant 0 : i32
    %c0_i32_0 = arith.constant 0 : i32
    %c0_i32_1 = arith.constant 0 : i32
    return %arg0, %c0_i32, %c0_i32_0 : i32, i32, i32
  }
  func.func @transform_5(%arg0: i32) -> (i32, i32, i32) {
    %c0_i32 = arith.constant 0 : i32
    %c0_i32_0 = arith.constant 0 : i32
    %c0_i32_1 = arith.constant 0 : i32
    return %arg0, %c0_i32, %c0_i32_0 : i32, i32, i32
  }
}

</mosaic_0001>

<sc_bundles>
// kernel: kernel.4.cloned.1.call-start
scs
__scs_entry_jumppad:
0x0: {  	(pc) =	sbr.rel $0x88, $3  }
0x1: {  	(tag) =	ssettag $0x0;
	lr =	simm.s32 $0x1  }
0x2: {  	[smem:$0x3F9D] =	sst lr;
	_ =	strace $0xD0000000  }
0x3: {  	_ = 	snop  }
0x4: {  	_ = 	snop  }
0x5: {  	_ = 	snop  }
0x6: {  	_ = 	snop  }
0x7: {  	_ = 	snop  }
__scs_overlays_trampoline_lowered:
0x8: {  	[smem:$0x3FAC] =	sst s0  }
0x9: {  	[smem:$0x3FAD] =	sst s1  }
0xa: {  	[smem:$0x3FAE] =	sst s2  }
0xb: {  	[smem:$0x3FAF] =	sst s3  }
0xc: {  	[smem:$0x3FB0] =	sst s4  }
0xd: {  	[smem:$0x3FB1] =	sst s5  }
0xe: {  	[smem:$0x3FB2] =	sst s6  }
0xf: {  	[smem:$0x3FB3] =	sst s7  }
0x10: {  	[smem:$0x3FB4] =	sst s8  }
0x11: {  	[smem:$0x3FB5] =	sst s9;
	s0 =	simm.s32 @!p0 $0x0  }
0x12: {  	s1 =	sld [smem:$0x3F9B];
	s0 =	simm.s32 @p0 $0x1  }
0x13: {  	[smem:$0x3FB6] =	sst s0;
	s0 =	simm.s32 @!p1 $0x0  }
0x14: {  	s2 =	sld [smem:$0x3F9A];
	s0 =	simm.s32 @p1 $0x1  }
0x15: {  	[smem:$0x3FB7] =	sst s0;
	s0 =	simm.s32 @!p2 $0x0  }
0x16: {  	s3 =	sld [smem:$0x3FDB];
	s0 =	simm.s32 @p2 $0x1  }
0x17: {  	s4 =	simm.s32 $0x1BF5;
	[smem:$0x3FB9] =	sst s0  }
0x18: {  	s0 =	sld [smem:$0x3F9C];
	_ =	swait.ge [sflag:s4], $0x0  }
0x19: {  	s7 =	sld [smem:$0x3F9D]  }
0x1a: {  	s8 =	sadd.s32 $0xFFFFE003, lr  }
0x1b: {  	s9 =	sadd.s32 $0xFFFFFEF7, lr;
	s5 =	simm.s32 $0xFFFFFFFF;
	p2 =	slt.u32 s8, $0xFFFFF086  }
0x1c: {  	p1 =	slt.u32 s9, $0xF7A;
	s5 =	simm.s32 @!p2 $0x0  }
0x1d: {  	s5 =	simm.s32 @p1 $0x1;
	p0 =	seq.s32 s7, s2  }
0x1e: {  	s7 =	smul.u32 @!p0 $0xF7A, s2;
	p2 =	seq.s32 @!p0 s5, $0x0  }
0x1f: {  	s9 =	smul.u32 $0xF7A, s1;
	s8 =	simm.s32 @!p0 $0x1BF5;
	p2 =	por !p2, p0  }
0x20: {  	[sflag:s8] =	ssyncset.s32 @!p0 $0xFFFFF086;
	s6 =	sadd.s32 @!p0 s3, s7;
	s7 =	simm.s32 @!p0 $0x108  }
0x21: {  	s3 =	sadd.s32 s3, s9;
	s6 =	sadd.s32 @!p0 $0x88, s6;
	s7 =	simm.s32 @p2 $0x1082  }
0x22: {  	[simem:s7], [sflag:s8] =	dma.local @!p0 [hbm:s6], $0xF7A  }
0x23: {  	s9 =	sor.u32 $0xD0000000, s2;
	s6 =	simm.s32 $0x108;
	_ =	swait.ge @!p0 [sflag:s8], $0x0  }
0x24: {  	s3 =	sadd.s32 $0x88, s3;
	s6 =	simm.s32 @!p1 $0x1082;
	[sflag:s4] =	ssyncset.s32 $0xFFFFF086  }
0x25: {  	[simem:s6], [sflag:s4] =	dma.local [hbm:s3], $0xF7A  }
0x26: {  	[smem:$0x3F9D] =	sst s1;
	(tag) =	ssettag s2;
	_ =	strace s9  }
0x27: {  	s1 =	sld [smem:$0x3FAD]  }
0x28: {  	s2 =	sld [smem:$0x3FAE]  }
0x29: {  	s4 =	sld [smem:$0x3FB0]  }
0x2a: {  	p0 =	seq.s32 s5, $0x0;
	s5 =	sld [smem:$0x3FB1]  }
0x2b: {  	s6 =	sld [smem:$0x3FB2]  }
0x2c: {  	s7 =	sld [smem:$0x3FB3]  }
0x2d: {  	s3 =	simm.s32 $0x108;
	s8 =	sld [smem:$0x3FB4]  }
0x2e: {  	s3 =	simm.s32 @!p0 $0x1082;
	s9 =	sld [smem:$0x3FB5]  }
0x2f: {  	lr =	sadd.s32 s0, s3;
	s0 =	sld [smem:$0x3FAC]  }
0x30: {  	s3 =	sld [smem:$0x3FAF]  }
0x31: {  	[smem:$0x3FB8] =	sst s10  }
0x32: {  	s10 =	sld [smem:$0x3FB6];
	_ =	sdelay $0x3  }
0x33: {  	p0 =	seq.s32 s10, $0x1;
	s10 =	sld [smem:$0x3FB8];
	_ =	sdelay $0x3  }
0x34: {  	[smem:$0x3FB8] =	sst s10  }
0x35: {  	s10 =	sld [smem:$0x3FB7];
	_ =	sdelay $0x3  }
0x36: {  	p1 =	seq.s32 s10, $0x1;
	s10 =	sld [smem:$0x3FB8];
	_ =	sdelay $0x3  }
0x37: {  	[smem:$0x3FB8] =	sst s10  }
0x38: {  	s10 =	sld [smem:$0x3FB9]  }
0x39: {  	_ = 	snop;
	(pc) =	sbr.ind lr, $3  }
0x3a: {  	_ = 	snop  }
0x3b: {  	_ = 	snop  }
0x3c: {  	p2 =	seq.s32 s10, $0x1;
	s10 =	sld [smem:$0x3FB8]  }
0x3d: {  	_ =	shalt  }
0x3e: {  	_ =	shalt  }
0x3f: {  	_ =	shalt  }
0x40: {  	_ =	shalt  }
0x41: {  	_ =	shalt  }
0x42: {  	_ =	shalt  }
0x43: {  	_ =	shalt  }
0x44: {  	_ =	shalt  }
0x45: {  	_ =	shalt  }
0x46: {  	_ =	shalt  }
0x47: {  	_ =	shalt  }
0x48: {  	_ =	shalt  }
0x49: {  	_ =	shalt  }
0x4a: {  	_ =	shalt  }
0x4b: {  	_ =	shalt  }
0x4c: {  	_ =	shalt  }
0x4d: {  	_ =	shalt  }
0x4e: {  	_ =	shalt  }
0x4f: {  	_ =	shalt  }
0x50: {  	_ =	shalt  }
0x51: {  	_ =	shalt  }
0x52: {  	_ =	shalt  }
0x53: {  	_ =	shalt  }
0x54: {  	_ =	shalt  }
0x55: {  	_ =	shalt  }
0x56: {  	_ =	shalt  }
0x57: {  	_ =	shalt  }
0x58: {  	_ =	shalt  }
0x59: {  	_ =	shalt  }
0x5a: {  	_ =	shalt  }
0x5b: {  	_ =	shalt  }
0x5c: {  	_ =	shalt  }
0x5d: {  	_ =	shalt  }
0x5e: {  	_ =	shalt  }
0x5f: {  	_ =	shalt  }
0x60: {  	_ =	shalt  }
0x61: {  	_ =	shalt  }
0x62: {  	_ =	shalt  }
0x63: {  	_ =	shalt  }
0x64: {  	_ =	shalt  }
0x65: {  	_ =	shalt  }
0x66: {  	_ =	shalt  }
0x67: {  	_ =	shalt  }
0x68: {  	_ =	shalt  }
0x69: {  	_ =	shalt  }
0x6a: {  	_ =	shalt  }
0x6b: {  	_ =	shalt  }
0x6c: {  	_ =	shalt  }
0x6d: {  	_ =	shalt  }
0x6e: {  	_ =	shalt  }
0x6f: {  	_ =	shalt  }
0x70: {  	_ =	shalt  }
0x71: {  	_ =	shalt  }
0x72: {  	_ =	shalt  }
0x73: {  	_ =	shalt  }
0x74: {  	_ =	shalt  }
0x75: {  	_ =	shalt  }
0x76: {  	_ =	shalt  }
0x77: {  	_ =	shalt  }
0x78: {  	_ =	shalt  }
0x79: {  	_ =	shalt  }
0x7a: {  	_ =	shalt  }
0x7b: {  	_ =	shalt  }
0x7c: {  	_ =	shalt  }
0x7d: {  	_ =	shalt  }
0x7e: {  	_ =	shalt  }
0x7f: {  	_ =	shalt  }
0x80: {  	_ =	shalt  }
0x81: {  	_ =	shalt  }
0x82: {  	_ =	shalt  }
0x83: {  	_ =	shalt  }
0x84: {  	_ =	shalt  }
0x85: {  	_ =	shalt  }
0x86: {  	_ =	shalt  }
0x87: {  	_ =	shalt  }
.Lfunc_end0:
.L_simem_size_0:
called_computation_lowered:
.L_overlay_start_0:
0x88: {  	s2 =	sld [smem:$0x3FD9]  }
0x89: {  	s3 =	sld [smem:$0x3FFE];
	_ =	sdelay $0x1  }
0x8a: {  	s1 =	srdreg.scid  }
0x8b: {  	s0 =	sand.u32 $0x1, s1  }
0x8c: {  	s16 =	sshll.u32 s0, $0xA;
	s2 =	sadd.s32 s3, s2  }
0x8d: {  	s2 =	sadd.s32 s2, s16  }
0x8e: {  	[smem:$0x3FC4] =	sst s2  }
0x8f: {  	_ = 	snop  }
0x90: {  	(tm) =	ssettm $0x1  }
0x91: {  	s17 =	sld [smem:$0x3FFB];
	_ =	sdelay $0x3  }
0x92: {  	_ =	strace s17  }
0x93: {  	s2 =	sld [smem:$0x3FFC];
	_ =	sdelay $0x3  }
0x94: {  	_ =	strace s2  }
0x95: {  	s2 =	sld [smem:$0x3FFD];
	_ =	sdelay $0x3  }
0x96: {  	_ =	strace s2  }
0x97: {  	_ =	strace $0x8FFFFFFF  }
0x98: {  	s18 =	sld [smem:$0x3FDB];
	_ =	sdelay $0x1  }
0x99: {  	s19 =	simm.s32 $_scs_section_size  }
0x9a: {  	s4 =	simm.s32 $_size__tile_overlayer_lowered;
	s5 =	simm.s32 $_tile_overlayer_lowered  }
0x9b: {  	s22 =	simm.s32 $0x1BFF;
	s21 =	sshll.u32 s5, $0x1;
	s2 =	sadd.s32 s19, s18  }
0x9c: {  	s6 =	simm.s32 $0x0;
	s20 =	sshll.u32 s4, $0x1;
	s4 =	sadd.s32 s21, s2  }
0x9d: {  	[timem:s6], [sflag:s22] =	dma.local [hbm:s4], s20  }
0x9e: {  	_ =	swait.ge [sflag:s22], s20  }
0x9f: {  	s3 =	ssub.s32 $0x0, s20;
	[sflag:s22] =	ssyncset.done $0x0  }
0xa0: {  	[sflag:s22] =	ssyncadd.s32 s3;
	_ =	sdelay $0x1  }
0xa1: {  	s23 =	simm.s32 $0x1B8B  }
0xa2: {  	_ =	swait.ge [sflag:s23], $0x1  }
0xa3: {  	[sflag:s23] =	ssyncset.done $0x0  }
0xa4: {  	s25 =	simm.s32 $0x1B8E;
	s24 =	sld [smem:$0x3FFE];
	[sflag:s23] =	ssyncadd.s32 $0xFFFFFFFF  }
0xa5: {  	s26 =	simm.s32 $execute0_lowered;
	[smem:$0x3FD2] =	sst s25  }
0xa6: {  	s4 =	sshll.u32 s26, $0x1;
	_ =	strace $0x80000046;
	[dreg:$0x1] =	wrdreg $0xFFFFFFFF  }
0xa7: {  	s28 =	simm.s32 $_size_execute0_lowered;
	s2 =	sadd.s32 s2, s4;
	[dreg:$0x0] =	wrdreg $0x0  }
0xa8: {  	s4 =	sshll.u32 s28, $0x1;
	[dreg:$0x2] =	wrdreg s2  }
0xa9: {  	[dreg:$0x3] =	wrdreg s4  }
0xaa: {  	[dreg:$0x4] =	wrdreg $0xC0  }
0xab: {  	_ =	task [dreg:s6], $0x5FFFF  }
0xac: {  	[dreg:$0x1] =	wrdreg $0xFFFFFFFF  }
0xad: {  	[dreg:$0x0] =	wrdreg $0x60  }
0xae: {  	[dreg:$0x2] =	wrdreg s24  }
0xaf: {  	[dreg:$0x3] =	wrdreg $0x9  }
0xb0: {  	_ =	task.clear_ibuf [dreg:s6], $0x4FFFF;
	_ =	strace $0x90000046  }
0xb1: {  	s29 =	simm.s32 $0x9;
	_ =	strace $0x80000048  }
0xb2: {  	_ =	swait.ge [sflag:s29], $0x1  }
0xb3: {  	[sflag:s29] =	ssyncadd.s32 $0xFFFFFFFF  }
0xb4: {  	_ =	strace $0x90000048  }
0xb5: {  	_ =	sfence  }
0xb6: {  	s30 =	sld [smem:$0x0];
	_ =	sdelay $0x2  }
0xb7: {  	s31 =	sshll.u32 s1, $0xD;
	s1 =	sshrl.u32 s1, $0x2  }
0xb8: {  	s3 =	sand.u32 $0x4000, s31;
	s1 =	sadd.s32 s1, s30  }
0xb9: {  	s0 =	sor.u32 s3, s0;
	s1 =	sshll.u32 s1, $0x11  }
0xba: {  	s0 =	sor.u32 s1, s0  }
0xbb: {  	s0 =	sadd.s32 $0x8F2B, s0  }
0xbc: {  	[sflag:s0] =	ssyncadd.remote.s32 $0x1  }
0xbd: {  	_ =	sfence.sel $0xFFFF  }
0xbe: {  	[dreg:$0x0] =	wrdreg $0xFFFFFFFF;
	(pc) =	sbr.abs _section_cstart, $3  }
0xbf: {  	[dreg:$0x1] =	wrdreg $0xFFFFFFFF  }
0xc0: {  	_ =	task.clear_ibuf [dreg:s6], $0x2FFFF;
	_ =	strace $0x9FFFFFFF  }
0xc1: {  	(tm) =	ssettm $0x7FFFFFFF  }
tec
execute0_lowered:
.L_overlay_start_1:
0x0: {  	(tag) =	ssettag $0x1  }
0x1: {  	s3 =	rddreg [dreg:$0x0]  }
0x2: {  	s0 =	rddreg [dreg:$0x1];
	s4 =	srdreg.scid  }
0x3: {  	s2 =	simm.s32 $0x0;
	s1 =	stileid.u32;
	s9 =	simm.s32 $0x1900  }
0x4: {  	s10 =	simm.s32 $0x80;
	s11 =	simm.s32 $0x400;
	s4 =	sand.u32 $0x1, s4  }
0x5: {  	s12 =	simm.s32 $0x0;
	[smem:$0x7FF] =	sst s2;
	s6 =	sshll.u32 s4, $0x4  }
0x6: {  	s5 =	sshll.u32 s1, $0x4;
	_ =	strace $0x80000047;
	s6 =	sor.u32 s1, s6  }
0x7: {  	s5 =	sand.u32 $0x70, s5;
	s4 =	ssub.s32 $0x2, s4;
	s7 =	smul.u32 $0x190, s6  }
0x8: {  	s5 =	sadd.s32 s5, s3;
	s8 =	sshrl.u32 s4, $0x1;
	s6 =	sshll.u32 s6, $0x5  }
0x9: {  	s8 =	ssub.s32 s4, s8;
	s6 =	sand.u32 $0x300, s6;
	s3 =	sadd.s32 s3, s7  }
0xa: {  	s5 =	sadd.s32 s6, s5;
	s6 =	smax.u32 s8, $0x1;
	s7 =	simm.s32 $0x1  }
0xb: {  	v0 =	vimm.f32 $0.0e+00;
	s8 =	simm.s32 $0xC80;
	s4 =	sadd.s32 $0x3200, s3;
	s5 =	sadd.s32 $0x6400, s5  }
.LBB2_1:
0xc: {  	[tilespmem:s2], [sflag:$0x1] =	stream.linear.gather [hbm4b:s4+s2], $0xC80, $0x38;
	[tilespmem:$0x1A00] =	vst v63  }
0xd: {  	_ =	swait.ge [sflag:s7], $0xC80  }
0xe: {  	[sflag:s7] =	ssyncset.done $0x0  }
0xf: {  	[sflag:s7] =	ssyncadd.s32 $0xFFFFF380  }
0x10: {  	[tilespmem:s8], [sflag:$0x1] =	stream.linear.gather [hbm4b:s3+s2], $0xC80, $0x38;
	[tilespmem:$0x1A00] =	vst v63  }
0x11: {  	_ =	swait.ge [sflag:s7], $0xC80  }
0x12: {  	[sflag:s7] =	ssyncset.done $0x0  }
0x13: {  	[sflag:s7] =	ssyncadd.s32 $0xFFFFF380  }
0x14: {  	[tilespmem:$0x1900] =	vst v0  }
0x15: {  	[tilespmem:$0x1910] =	vst v0  }
0x16: {  	[tilespmem:$0x1920] =	vst v0  }
0x17: {  	[tilespmem:$0x1930] =	vst v0  }
0x18: {  	[tilespmem:$0x1940] =	vst v0  }
0x19: {  	[tilespmem:$0x1950] =	vst v0  }
0x1a: {  	[tilespmem:$0x1960] =	vst v0  }
0x1b: {  	[tilespmem:$0x1970] =	vst v0  }
0x1c: {  	[tilespmem:$0x1980] =	vst v0  }
0x1d: {  	[tilespmem:$0x1990] =	vst v0  }
0x1e: {  	[tilespmem:$0x19A0] =	vst v0  }
0x1f: {  	[tilespmem:$0x19B0] =	vst v0  }
0x20: {  	[tilespmem:$0x19C0] =	vst v0  }
0x21: {  	[tilespmem:$0x19D0] =	vst v0  }
0x22: {  	[tilespmem:$0x19E0] =	vst v0  }
0x23: {  	s14 =	simm.s32 $0x0;
	s13 =	simm.s32 $0x40;
	[tilespmem:$0x19F0] =	vst v0  }
.LBB2_2:
0x24: {  	p0 =	sne.s32 s13, $0x31C0;
	v1 =	vld [tilespmem:s14+$0xC80];
	_ =	sdelay $0x2  }
0x25: {  	v2 =	vld [tilespmem:s14+$0x0]  }
.Ltmp0:
0x26: {  	(pc) =	sbr.rel @p0 .LBB2_2-.Ltmp0, $2  }
0x27: {  	_ =	sdelay $0x2  }
0x28: {  	s14 =	sshra.s32 s13, $0x2;
	s13 =	sadd.s32 $0x40, s13;
	[tilespmem:v1+s9+$0x0] =	vst.idx.add.f32.msk $0xffff, v2  }
0x29: {  	v1 =	vld [tilespmem:s14+$0xC80];
	_ =	sdelay $0x2  }
0x2a: {  	v2 =	vld [tilespmem:s14+$0x0];
	_ =	sdelay $0x2  }
0x2b: {  	s12 =	sadd.s32 $0x1, s12  }
0x2c: {  	p0 =	sne.s32 s12, s6  }
.Ltmp1:
0x2d: {  	[tilespmem:v1+s9+$0x0] =	vst.idx.add.f32.msk $0xffff, v2;
	(pc) =	sbr.rel @p0 .LBB2_1-.Ltmp1, $4  }
0x2e: {  	[hbm4b:s5+s10] =	stream.strided.scatter [tilespmem:s9], [sflag:$0x1], $0x100, s11, s10, $0x38;
	[tilespmem:$0x1A00] =	vst v63  }
0x2f: {  	_ =	swait.ge [sflag:s7], $0x100  }
0x30: {  	[sflag:s7] =	ssyncset.done $0x0  }
0x31: {  	[sflag:s7] =	ssyncadd.s32 $0xFFFFFF00  }
0x32: {  	_ =	sfence.sel $0x180000  }
0x33: {  	[bflag:$0x0] =	sbarrier.arrive $0xFFFF  }
0x34: {  	p0 =	sne.s32 s1, $0x0;
	_ =	strace $0x90000047  }
0x35: {  	s0 =	sadd.s32 @!p0 $0x100000, s0;
	[bflag:$0x2] =	sbarrier.arrive $0xFFFF  }
0x36: {  	[sflag:s0] =	ssyncadd.tile.s32 @!p0 $0x1;
	_ =	shalt  }
.Lfunc_end2:
_tile_overlayer_lowered:
.L_overlay_start_2:
0x37: {  	(tag) =	ssettag $0x2  }
0x38: {  	s0 =	rddreg [dreg:$0x0];
	s2 =	stileid.u32  }
0x39: {  	s1 =	rddreg [dreg:$0x1];
	p0 =	sne.s32 s2, $0x0  }
0x3a: {  	s3 =	rddreg [dreg:$0x2];
	[bflag:$0x3] =	sbarrier.arrive $0xFFFF;
	s2 =	simm.s32 @!p0 $0x1C01  }
0x3b: {  	[timem:s3], [sflag:s2] =	dma.local @!p0 [hbm:s0], s1  }
0x3c: {  	s0 =	simm.s32 @!p0 $0x1  }
0x3d: {  	_ =	swait.ge @!p0 [sflag:s0], s1  }
0x3e: {  	s1 =	ssub.s32 @!p0 $0x0, s1;
	[sflag:s0] =	ssyncset.done @!p0 $0x0  }
0x3f: {  	[sflag:s0] =	ssyncadd.s32 @!p0 s1  }
0x40: {  	[bflag:$0x3] =	sbarrier.arrive $0xFFFF  }
0x41: {  	_ =	shalt  }

</sc_bundles>
